<compile_context>
chip_gen: v7x
topology: tpu7x:2x2x1
jax: 0.10.2.dev20260603
libtpu: 0.0.44.dev20260713+nightly
codegen_flags: <defaults>
</compile_context>

<pallas_src>
import functools

import jax
import jax.numpy as jnp
from jax import lax
from jax.experimental import pallas as pl
from jax.experimental.pallas import tpu as pltpu
from jax.experimental.pallas import tpu_sc as plsc
from jax.experimental.layout import Layout, with_layout_constraint

B = 16384
D = 64
H = 2 * D
V = 100000
NC = 2
NS = 16
NW = NC * NS
BPW = B // NW
L = 16
TB = 4096
NB = B // TB
AVG_R = 3.5
LAM = 0.001


def _sc_gather(user0, item_i0, ratings, eu8, ei8, user_bias, item_bias):
    mesh = plsc.VectorSubcoreMesh(core_axis_name="c", subcore_axis_name="s")

    @functools.partial(
        pl.kernel,
        mesh=mesh,
        compiler_params=pltpu.CompilerParams(use_tc_tiling_on_sc=False),
        out_type=(
            jax.ShapeDtypeStruct((B, 128), jnp.float32),
            jax.ShapeDtypeStruct((B,), jnp.float32),
        ),
        scratch_types=(
            pltpu.VMEM((BPW,), jnp.int32),
            pltpu.VMEM((BPW,), jnp.int32),
            pltpu.VMEM((BPW, D), jnp.float32),
            pltpu.VMEM((BPW, D), jnp.float32),
            pltpu.VMEM((BPW,), jnp.float32),
            pltpu.VMEM((BPW,), jnp.float32),
            pltpu.VMEM((BPW,), jnp.float32),
            pltpu.VMEM((BPW,), jnp.float32),
            pltpu.SemaphoreType.DMA,
            pltpu.SemaphoreType.DMA,
            pltpu.SemaphoreType.DMA,
            pltpu.SemaphoreType.DMA,
            pltpu.SemaphoreType.DMA,
        ),
    )
    def gather_kernel(u0_hbm, i0_hbm, rat_hbm, eu_hbm, ei_hbm, ubt_hbm,
                      ibt_hbm,
                      rows_out, c_out,
                      uidx_v, iidx_v, urows_v, irows_v, ubv, ibv, ratv, cv,
                      sem_u, sem_i, sem_ub, sem_ib, sem_r):
        wid = lax.axis_index("s") * NC + lax.axis_index("c")
        base = pl.multiple_of(wid * BPW, BPW)
        pltpu.sync_copy(u0_hbm.at[pl.ds(base, BPW)], uidx_v)
        pltpu.sync_copy(i0_hbm.at[pl.ds(base, BPW)], iidx_v)
        cu = pltpu.async_copy(eu_hbm.at[uidx_v], urows_v, sem_u)
        ci = pltpu.async_copy(ei_hbm.at[iidx_v], irows_v, sem_i)
        cub = pltpu.async_copy(ubt_hbm.at[uidx_v], ubv, sem_ub)
        cib = pltpu.async_copy(ibt_hbm.at[iidx_v], ibv, sem_ib)
        crat = pltpu.async_copy(rat_hbm.at[pl.ds(base, BPW)], ratv, sem_r)
        cub.wait()
        cib.wait()
        crat.wait()

        def c_chunk(k, carry):
            s = pl.multiple_of(k * L, L)
            cv[pl.ds(s, L)] = (ubv[pl.ds(s, L)] + ibv[pl.ds(s, L)]
                               + AVG_R - ratv[pl.ds(s, L)])
            return carry

        lax.fori_loop(0, BPW // L, c_chunk, 0, unroll=4)
        pltpu.sync_copy(cv, c_out.at[pl.ds(base, BPW)])
        cu.wait()
        pltpu.sync_copy(urows_v,
                        rows_out.at[pl.ds(base, BPW), pl.ds(0, D)])
        ci.wait()
        pltpu.sync_copy(irows_v,
                        rows_out.at[pl.ds(base, BPW), pl.ds(D, D)])

    return gather_kernel(user0, item_i0, ratings, eu8, ei8,
                         user_bias, item_bias)


def _tc_body(x_ref, c_ref, W1_ref, b1_ref, W2_ref, b2_ref, part_ref):
    W1 = W1_ref[...]
    b1 = b1_ref[...]
    W2 = W2_ref[...]
    b2 = b2_ref[...]

    def mlp(x):
        h = jnp.dot(x, W1, preferred_element_type=jnp.float32) + b1
        h = jnp.where(h >= 0, h, 0.1 * h)
        return jnp.dot(h, W2, preferred_element_type=jnp.float32) + b2

    x = x_ref[...]
    fu = mlp(x[:, :D])
    fi = mlp(x[:, D:])
    dots = jnp.sum(fu * fi, axis=1)
    err = dots + c_ref[...]
    i = pl.program_id(0)
    part_ref[i, 0] = jnp.sum(err * err)
    part_ref[i, 1] = jnp.sum(fu * fu)
    part_ref[i, 2] = jnp.sum(fi * fi)


def _tc_loss(rows, c, W1, b1, W2, b2):
    return pl.pallas_call(
        _tc_body,
        grid=(NB,),
        in_specs=[
            pl.BlockSpec((TB, 128), lambda i: (i, 0)),
            pl.BlockSpec((TB,), lambda i: (i,)),
            pl.BlockSpec((D, H), lambda i: (0, 0)),
            pl.BlockSpec((1, H), lambda i: (0, 0)),
            pl.BlockSpec((H, D), lambda i: (0, 0)),
            pl.BlockSpec((1, D), lambda i: (0, 0)),
        ],
        out_specs=pl.BlockSpec(memory_space=pltpu.SMEM),
        out_shape=jax.ShapeDtypeStruct((NB, 3), jnp.float32),
    )(rows, c, W1, b1, W2, b2)


def kernel(user0, item_i0, ratings, embed_user, embed_item,
           W1, b1, W2, b2, user_bias, item_bias):
    u0 = user0.astype(jnp.int32)
    i0 = item_i0.astype(jnp.int32)
    t8 = Layout(major_to_minor=(0, 1), tiling=((8,),))
    eu8 = with_layout_constraint(embed_user, t8)
    ei8 = with_layout_constraint(embed_item, t8)
    rows, c = _sc_gather(u0, i0, ratings.astype(jnp.float32), eu8, ei8,
                         user_bias[:, 0], item_bias[:, 0])
    parts = _tc_loss(rows, c, W1, b1.reshape(1, H), W2, b2.reshape(1, D))
    sums = jnp.sum(parts, axis=0)
    loss2 = sums[0] / B
    l2 = LAM * (sums[1] / (B * D)) + LAM * (sums[2] / (B * D))
    loss = loss2 + l2
    z = jnp.float32(0.0)
    return (loss, loss2, z, z, z, z)

# --- scband reference (transcript-rebuilt; emitter-appended) ---
"""Pipeline reference for scband-bpr-compostional-20727512170688 (READ-ONLY COPY).

The authoritative reference and input builder live on the scoring server;
editing this copy changes nothing except your own understanding.
"""

import jax, jax.numpy as jnp
import numpy as np

USER_NUM = 100000
ITEM_NUM = 100000
D = 64
B = 16384
AVG_RATING = 3.5
LAMADA = 0.001


def _user_filter(x, W1, b1, W2, b2):
    h = x @ W1 + b1
    h = jnp.where(h >= 0, h, 0.1 * h)  # LeakyReLU(0.1)
    return h @ W2 + b2


def setup_inputs(seed: int = 0) -> dict:
    key = jax.random.key(seed)
    ks = jax.random.split(key, 10)
    user0 = jax.random.randint(ks[0], (B,), 0, USER_NUM, dtype=jnp.int64 if jax.config.jax_enable_x64 else jnp.int32)
    item_i0 = jax.random.randint(ks[1], (B,), 0, ITEM_NUM, dtype=jnp.int64 if jax.config.jax_enable_x64 else jnp.int32)
    ratings = jax.random.uniform(ks[2], (B,), dtype=jnp.float32) * 5.0
    embed_user = jax.random.normal(ks[3], (USER_NUM, D), dtype=jnp.float32) * 0.01
    embed_item = jax.random.normal(ks[4], (ITEM_NUM, D), dtype=jnp.float32) * 0.01
    W1 = jax.random.normal(ks[5], (D, 2 * D), dtype=jnp.float32) * (1.0 / np.sqrt(D))
    b1 = jnp.zeros((2 * D,), dtype=jnp.float32)
    W2 = jax.random.normal(ks[6], (2 * D, D), dtype=jnp.float32) * (1.0 / np.sqrt(2 * D))
    b2 = jnp.zeros((D,), dtype=jnp.float32)
    user_bias = jax.random.normal(ks[7], (USER_NUM, 1), dtype=jnp.float32) * 0.01
    item_bias = jax.random.normal(ks[8], (ITEM_NUM, 1), dtype=jnp.float32) * 0.01
    return {
        "user0": user0,
        "item_i0": item_i0,
        "ratings": ratings,
        "embed_user": embed_user,
        "embed_item": embed_item,
        "W1": W1,
        "b1": b1,
        "W2": W2,
        "b2": b2,
        "user_bias": user_bias,
        "item_bias": item_bias,
    }


def reference(user0, item_i0, ratings, embed_user, embed_item, W1, b1, W2, b2, user_bias, item_bias):
    ub = jnp.take(user_bias, user0, axis=0)  # [B, 1]
    ib = jnp.take(item_bias, item_i0, axis=0)  # [B, 1]
    user = jnp.take(embed_user, user0, axis=0)  # [B, D]
    item_i = jnp.take(embed_item, item_i0, axis=0)  # [B, D]
    user = _user_filter(user, W1, b1, W2, b2)
    item_i = _user_filter(item_i, W1, b1, W2, b2)
    ratings = ratings.astype(jnp.float32)
    prediction_i = (user * item_i).sum(axis=-1) + ub[:, 0] + ib[:, 0] + AVG_RATING
    l2_regulization = LAMADA * jnp.mean(user ** 2) + LAMADA * jnp.mean(item_i ** 2)
    loss2 = jnp.mean((prediction_i - ratings) ** 2)
    loss = loss2 + l2_regulization
    z = jnp.float32(0.0)
    return (loss, loss2, z, z, z, z)

if __name__ == "__main__":
    import jax
    _d = setup_inputs()
    print(jax.jit(kernel)(*tuple(_d.values())))

</pallas_src>

<mosaic_0001>
#map = affine_map<(d0, d1) -> (0)>
#map1 = affine_map<(d0, d1) -> (0, 0)>
module attributes {stable_mosaic.version = 14 : i64} {
  func.func @gather_kernel(%arg0: i32, %arg1: i32, %arg2: memref<16384xi32, #tpu.memory_space<hbm>>, %arg3: memref<16384xi32, #tpu.memory_space<hbm>>, %arg4: memref<16384xf32, #tpu.memory_space<hbm>>, %arg5: memref<100000x64xf32, #tpu.memory_space<hbm>>, %arg6: memref<100000x64xf32, #tpu.memory_space<hbm>>, %arg7: memref<100000xf32, #tpu.memory_space<hbm>>, %arg8: memref<100000xf32, #tpu.memory_space<hbm>>, %arg9: memref<16384x128xf32, #tpu.memory_space<hbm>>, %arg10: memref<16384xf32, #tpu.memory_space<hbm>>, %arg11: memref<512xi32, #tpu.memory_space<vmem>>, %arg12: memref<512xi32, #tpu.memory_space<vmem>>, %arg13: memref<512x64xf32, #tpu.memory_space<vmem>>, %arg14: memref<512x64xf32, #tpu.memory_space<vmem>>, %arg15: memref<512xf32, #tpu.memory_space<vmem>>, %arg16: memref<512xf32, #tpu.memory_space<vmem>>, %arg17: memref<512xf32, #tpu.memory_space<vmem>>, %arg18: memref<512xf32, #tpu.memory_space<vmem>>, %arg19: memref<!tpu.dma_semaphore, #tpu.memory_space<semaphore_mem>>, %arg20: memref<!tpu.dma_semaphore, #tpu.memory_space<semaphore_mem>>, %arg21: memref<!tpu.dma_semaphore, #tpu.memory_space<semaphore_mem>>, %arg22: memref<!tpu.dma_semaphore, #tpu.memory_space<semaphore_mem>>, %arg23: memref<!tpu.dma_semaphore, #tpu.memory_space<semaphore_mem>>) attributes {dimension_semantics = [#tpu.dimension_semantics<core_parallel>, #tpu.dimension_semantics<subcore_parallel>], iteration_bounds = array<i64: 2, 16>, scalar_prefetch = 0 : i64, scratch_operands = 13 : i64, tpu.core_type = #tpu.core_type<sc_vector_subcore>, window_params = [{transform_indices = #map}, {transform_indices = #map}, {transform_indices = #map}, {transform_indices = #map1}, {transform_indices = #map1}, {transform_indices = #map}, {transform_indices = #map}, {transform_indices = #map1}, {transform_indices = #map}]} {
    %mul3A = arith.constant 2 : i32
    %mul3A_0 = arith.muli %arg1, %mul3A : i32
    %add3A = arith.addi %mul3A_0, %arg0 : i32
    %mul3A_1 = arith.constant 512 : i32
    %mul3A_2 = arith.muli %add3A, %mul3A_1 : i32
    %multiple_of3A = tpu.assume_multiple %mul3A_2, 512 : i32
    "tpu.region"() ({
      %run_scoped3A = tpu.sem_alloc : memref<!tpu.dma_semaphore, #tpu.memory_space<semaphore_mem>>
      %dma_start3A_30 = tpu.memref_slice %arg2[%multiple_of3A] : memref<16384xi32, #tpu.memory_space<hbm>> -> memref<512xi32, #tpu.memory_space<hbm>>
      %dma_start3A_31 = tpu.memref_slice %arg2[%multiple_of3A] : memref<16384xi32, #tpu.memory_space<hbm>> -> memref<512xi32, #tpu.memory_space<hbm>>
      tpu.enqueue_dma source(%dma_start3A_31 : memref<512xi32, #tpu.memory_space<hbm>>) target(%arg11 : memref<512xi32, #tpu.memory_space<vmem>>) target_semaphore(%run_scoped3A : memref<!tpu.dma_semaphore, #tpu.memory_space<semaphore_mem>>)
      %dma_wait3A_32 = tpu.memref_slice %arg2[%multiple_of3A] : memref<16384xi32, #tpu.memory_space<hbm>> -> memref<512xi32, #tpu.memory_space<hbm>>
      %dma_wait3A_33 = tpu.memref_slice %arg2[%multiple_of3A] : memref<16384xi32, #tpu.memory_space<hbm>> -> memref<512xi32, #tpu.memory_space<hbm>>
      tpu.wait_dma2 semaphore(%run_scoped3A : memref<!tpu.dma_semaphore, #tpu.memory_space<semaphore_mem>>) src(%dma_wait3A_33 : memref<512xi32, #tpu.memory_space<hbm>>) dst(%arg11 : memref<512xi32, #tpu.memory_space<vmem>>)
      tpu.yield
    }) : () -> ()
    "tpu.region"() ({
      %run_scoped3A = tpu.sem_alloc : memref<!tpu.dma_semaphore, #tpu.memory_space<semaphore_mem>>
      %dma_start3A_30 = tpu.memref_slice %arg3[%multiple_of3A] : memref<16384xi32, #tpu.memory_space<hbm>> -> memref<512xi32, #tpu.memory_space<hbm>>
      %dma_start3A_31 = tpu.memref_slice %arg3[%multiple_of3A] : memref<16384xi32, #tpu.memory_space<hbm>> -> memref<512xi32, #tpu.memory_space<hbm>>
      tpu.enqueue_dma source(%dma_start3A_31 : memref<512xi32, #tpu.memory_space<hbm>>) target(%arg12 : memref<512xi32, #tpu.memory_space<vmem>>) target_semaphore(%run_scoped3A : memref<!tpu.dma_semaphore, #tpu.memory_space<semaphore_mem>>)
      %dma_wait3A_32 = tpu.memref_slice %arg3[%multiple_of3A] : memref<16384xi32, #tpu.memory_space<hbm>> -> memref<512xi32, #tpu.memory_space<hbm>>
      %dma_wait3A_33 = tpu.memref_slice %arg3[%multiple_of3A] : memref<16384xi32, #tpu.memory_space<hbm>> -> memref<512xi32, #tpu.memory_space<hbm>>
      tpu.wait_dma2 semaphore(%run_scoped3A : memref<!tpu.dma_semaphore, #tpu.memory_space<semaphore_mem>>) src(%dma_wait3A_33 : memref<512xi32, #tpu.memory_space<hbm>>) dst(%arg12 : memref<512xi32, #tpu.memory_space<vmem>>)
      tpu.yield
    }) : () -> ()
    %dma_start3A = arith.constant 0 : i32
    %dma_start3A_3 = arith.constant 0 : i32
    %dma_start3A_4 = tpu.memref_slice %arg5[%dma_start3A, %dma_start3A_3] : memref<100000x64xf32, #tpu.memory_space<hbm>> -> memref<100000x64xf32, #tpu.memory_space<hbm>>
    tpu.enqueue_indirect_dma source(%dma_start3A_4 : memref<100000x64xf32, #tpu.memory_space<hbm>>) target(%arg13 : memref<512x64xf32, #tpu.memory_space<vmem>>) offsets(%arg11 : memref<512xi32, #tpu.memory_space<vmem>>) semaphore(%arg19 : memref<!tpu.dma_semaphore, #tpu.memory_space<semaphore_mem>>)
    %dma_start3A_5 = arith.constant 0 : i32
    %dma_start3A_6 = arith.constant 0 : i32
    %dma_start3A_7 = tpu.memref_slice %arg6[%dma_start3A_5, %dma_start3A_6] : memref<100000x64xf32, #tpu.memory_space<hbm>> -> memref<100000x64xf32, #tpu.memory_space<hbm>>
    tpu.enqueue_indirect_dma source(%dma_start3A_7 : memref<100000x64xf32, #tpu.memory_space<hbm>>) target(%arg14 : memref<512x64xf32, #tpu.memory_space<vmem>>) offsets(%arg12 : memref<512xi32, #tpu.memory_space<vmem>>) semaphore(%arg20 : memref<!tpu.dma_semaphore, #tpu.memory_space<semaphore_mem>>)
    %dma_start3A_8 = arith.constant 0 : i32
    %dma_start3A_9 = tpu.memref_slice %arg7[%dma_start3A_8] : memref<100000xf32, #tpu.memory_space<hbm>> -> memref<100000xf32, #tpu.memory_space<hbm>>
    tpu.enqueue_indirect_dma source(%dma_start3A_9 : memref<100000xf32, #tpu.memory_space<hbm>>) target(%arg15 : memref<512xf32, #tpu.memory_space<vmem>>) offsets(%arg11 : memref<512xi32, #tpu.memory_space<vmem>>) semaphore(%arg21 : memref<!tpu.dma_semaphore, #tpu.memory_space<semaphore_mem>>)
    %dma_start3A_10 = arith.constant 0 : i32
    %dma_start3A_11 = tpu.memref_slice %arg8[%dma_start3A_10] : memref<100000xf32, #tpu.memory_space<hbm>> -> memref<100000xf32, #tpu.memory_space<hbm>>
    tpu.enqueue_indirect_dma source(%dma_start3A_11 : memref<100000xf32, #tpu.memory_space<hbm>>) target(%arg16 : memref<512xf32, #tpu.memory_space<vmem>>) offsets(%arg12 : memref<512xi32, #tpu.memory_space<vmem>>) semaphore(%arg22 : memref<!tpu.dma_semaphore, #tpu.memory_space<semaphore_mem>>)
    %dma_start3A_12 = tpu.memref_slice %arg4[%multiple_of3A] : memref<16384xf32, #tpu.memory_space<hbm>> -> memref<512xf32, #tpu.memory_space<hbm>>
    %dma_start3A_13 = tpu.memref_slice %arg4[%multiple_of3A] : memref<16384xf32, #tpu.memory_space<hbm>> -> memref<512xf32, #tpu.memory_space<hbm>>
    tpu.enqueue_dma source(%dma_start3A_13 : memref<512xf32, #tpu.memory_space<hbm>>) target(%arg17 : memref<512xf32, #tpu.memory_space<vmem>>) target_semaphore(%arg23 : memref<!tpu.dma_semaphore, #tpu.memory_space<semaphore_mem>>)
    %dma_wait3A = arith.constant 0 : i32
    %dma_wait3A_14 = tpu.memref_slice %arg7[%dma_wait3A] : memref<100000xf32, #tpu.memory_space<hbm>> -> memref<100000xf32, #tpu.memory_space<hbm>>
    tpu.wait_indirect_dma semaphore(%arg21 : memref<!tpu.dma_semaphore, #tpu.memory_space<semaphore_mem>>) src(%dma_wait3A_14 : memref<100000xf32, #tpu.memory_space<hbm>>) dst(%arg15 : memref<512xf32, #tpu.memory_space<vmem>>)
    %dma_wait3A_15 = arith.constant 0 : i32
    %dma_wait3A_16 = tpu.memref_slice %arg8[%dma_wait3A_15] : memref<100000xf32, #tpu.memory_space<hbm>> -> memref<100000xf32, #tpu.memory_space<hbm>>
    tpu.wait_indirect_dma semaphore(%arg22 : memref<!tpu.dma_semaphore, #tpu.memory_space<semaphore_mem>>) src(%dma_wait3A_16 : memref<100000xf32, #tpu.memory_space<hbm>>) dst(%arg16 : memref<512xf32, #tpu.memory_space<vmem>>)
    %dma_wait3A_17 = tpu.memref_slice %arg4[%multiple_of3A] : memref<16384xf32, #tpu.memory_space<hbm>> -> memref<512xf32, #tpu.memory_space<hbm>>
    %dma_wait3A_18 = tpu.memref_slice %arg4[%multiple_of3A] : memref<16384xf32, #tpu.memory_space<hbm>> -> memref<512xf32, #tpu.memory_space<hbm>>
    tpu.wait_dma2 semaphore(%arg23 : memref<!tpu.dma_semaphore, #tpu.memory_space<semaphore_mem>>) src(%dma_wait3A_18 : memref<512xf32, #tpu.memory_space<hbm>>) dst(%arg17 : memref<512xf32, #tpu.memory_space<vmem>>)
    %scan3A = arith.constant 0 : i32
    %scan3A_19 = arith.constant 0 : i32
    %scan3A_20 = arith.constant 32 : i32
    %scan3A_21 = arith.addi %scan3A_19, %scan3A_20 : i32
    %scan3A_22 = arith.constant 4 : i32
    scf.for %scan3A_30 = %scan3A_19 to %scan3A_21 step %scan3A_22  : i32 {
      %mul3A_31 = arith.constant 16 : i32
      %mul3A_32 = arith.muli %scan3A_30, %mul3A_31 : i32
      %multiple_of3A_33 = tpu.assume_multiple %mul3A_32, 16 : i32
      %get3A = arith.index_cast %multiple_of3A_33 : i32 to index
      %get3A_34 = tpu.vector_load %arg15[%get3A] {strides = array<i32>} : memref<512xf32, #tpu.memory_space<vmem>>, vector<16xf32>,
      %get3A_35 = vector.shape_cast %get3A_34 : vector<16xf32> to vector<16xf32>
      %get3A_36 = arith.index_cast %multiple_of3A_33 : i32 to index
      %get3A_37 = tpu.vector_load %arg16[%get3A_36] {strides = array<i32>} : memref<512xf32, #tpu.memory_space<vmem>>, vector<16xf32>,
      %get3A_38 = vector.shape_cast %get3A_37 : vector<16xf32> to vector<16xf32>
      %add3A_39 = arith.addf %get3A_35, %get3A_38 : vector<16xf32>
      %add3A_40 = arith.constant 3.500000e+00 : f32
      %add3A_41 = vector.broadcast %add3A_40 : f32 to vector<16xf32>
      %add3A_42 = arith.addf %add3A_39, %add3A_41 : vector<16xf32>
      %get3A_43 = arith.index_cast %multiple_of3A_33 : i32 to index
      %get3A_44 = tpu.vector_load %arg17[%get3A_43] {strides = array<i32>} : memref<512xf32, #tpu.memory_space<vmem>>, vector<16xf32>,
      %get3A_45 = vector.shape_cast %get3A_44 : vector<16xf32> to vector<16xf32>
      %sub3A = arith.subf %add3A_42, %get3A_45 : vector<16xf32>
      %swap3A = arith.index_cast %multiple_of3A_33 : i32 to index
      %swap3A_46 = tpu.vector_load %arg18[%swap3A] {strides = array<i32>} : memref<512xf32, #tpu.memory_space<vmem>>, vector<16xf32>,
      %swap3A_47 = vector.shape_cast %swap3A_46 : vector<16xf32> to vector<16xf32>
      %swap3A_48 = vector.shape_cast %sub3A : vector<16xf32> to vector<16xf32>
      tpu.vector_store %arg18[%swap3A], %swap3A_48 {strides = array<i32>} : memref<512xf32, #tpu.memory_space<vmem>>, vector<16xf32>,
      %scan3A_49 = arith.constant 1 : i32
      %scan3A_50 = arith.addi %scan3A_30, %scan3A_49 : i32
      %mul3A_51 = arith.constant 16 : i32
      %mul3A_52 = arith.muli %scan3A_50, %mul3A_51 : i32
      %multiple_of3A_53 = tpu.assume_multiple %mul3A_52, 16 : i32
      %get3A_54 = arith.index_cast %multiple_of3A_53 : i32 to index
      %get3A_55 = tpu.vector_load %arg15[%get3A_54] {strides = array<i32>} : memref<512xf32, #tpu.memory_space<vmem>>, vector<16xf32>,
      %get3A_56 = vector.shape_cast %get3A_55 : vector<16xf32> to vector<16xf32>
      %get3A_57 = arith.index_cast %multiple_of3A_53 : i32 to index
      %get3A_58 = tpu.vector_load %arg16[%get3A_57] {strides = array<i32>} : memref<512xf32, #tpu.memory_space<vmem>>, vector<16xf32>,
      %get3A_59 = vector.shape_cast %get3A_58 : vector<16xf32> to vector<16xf32>
      %add3A_60 = arith.addf %get3A_56, %get3A_59 : vector<16xf32>
      %add3A_61 = arith.constant 3.500000e+00 : f32
      %add3A_62 = vector.broadcast %add3A_61 : f32 to vector<16xf32>
      %add3A_63 = arith.addf %add3A_60, %add3A_62 : vector<16xf32>
      %get3A_64 = arith.index_cast %multiple_of3A_53 : i32 to index
      %get3A_65 = tpu.vector_load %arg17[%get3A_64] {strides = array<i32>} : memref<512xf32, #tpu.memory_space<vmem>>, vector<16xf32>,
      %get3A_66 = vector.shape_cast %get3A_65 : vector<16xf32> to vector<16xf32>
      %sub3A_67 = arith.subf %add3A_63, %get3A_66 : vector<16xf32>
      %swap3A_68 = arith.index_cast %multiple_of3A_53 : i32 to index
      %swap3A_69 = tpu.vector_load %arg18[%swap3A_68] {strides = array<i32>} : memref<512xf32, #tpu.memory_space<vmem>>, vector<16xf32>,
      %swap3A_70 = vector.shape_cast %swap3A_69 : vector<16xf32> to vector<16xf32>
      %swap3A_71 = vector.shape_cast %sub3A_67 : vector<16xf32> to vector<16xf32>
      tpu.vector_store %arg18[%swap3A_68], %swap3A_71 {strides = array<i32>} : memref<512xf32, #tpu.memory_space<vmem>>, vector<16xf32>,
      %scan3A_72 = arith.constant 2 : i32
      %scan3A_73 = arith.addi %scan3A_30, %scan3A_72 : i32
      %mul3A_74 = arith.constant 16 : i32
      %mul3A_75 = arith.muli %scan3A_73, %mul3A_74 : i32
      %multiple_of3A_76 = tpu.assume_multiple %mul3A_75, 16 : i32
      %get3A_77 = arith.index_cast %multiple_of3A_76 : i32 to index
      %get3A_78 = tpu.vector_load %arg15[%get3A_77] {strides = array<i32>} : memref<512xf32, #tpu.memory_space<vmem>>, vector<16xf32>,
      %get3A_79 = vector.shape_cast %get3A_78 : vector<16xf32> to vector<16xf32>
      %get3A_80 = arith.index_cast %multiple_of3A_76 : i32 to index
      %get3A_81 = tpu.vector_load %arg16[%get3A_80] {strides = array<i32>} : memref<512xf32, #tpu.memory_space<vmem>>, vector<16xf32>,
      %get3A_82 = vector.shape_cast %get3A_81 : vector<16xf32> to vector<16xf32>
      %add3A_83 = arith.addf %get3A_79, %get3A_82 : vector<16xf32>
      %add3A_84 = arith.constant 3.500000e+00 : f32
      %add3A_85 = vector.broadcast %add3A_84 : f32 to vector<16xf32>
      %add3A_86 = arith.addf %add3A_83, %add3A_85 : vector<16xf32>
      %get3A_87 = arith.index_cast %multiple_of3A_76 : i32 to index
      %get3A_88 = tpu.vector_load %arg17[%get3A_87] {strides = array<i32>} : memref<512xf32, #tpu.memory_space<vmem>>, vector<16xf32>,
      %get3A_89 = vector.shape_cast %get3A_88 : vector<16xf32> to vector<16xf32>
      %sub3A_90 = arith.subf %add3A_86, %get3A_89 : vector<16xf32>
      %swap3A_91 = arith.index_cast %multiple_of3A_76 : i32 to index
      %swap3A_92 = tpu.vector_load %arg18[%swap3A_91] {strides = array<i32>} : memref<512xf32, #tpu.memory_space<vmem>>, vector<16xf32>,
      %swap3A_93 = vector.shape_cast %swap3A_92 : vector<16xf32> to vector<16xf32>
      %swap3A_94 = vector.shape_cast %sub3A_90 : vector<16xf32> to vector<16xf32>
      tpu.vector_store %arg18[%swap3A_91], %swap3A_94 {strides = array<i32>} : memref<512xf32, #tpu.memory_space<vmem>>, vector<16xf32>,
      %scan3A_95 = arith.constant 3 : i32
      %scan3A_96 = arith.addi %scan3A_30, %scan3A_95 : i32
      %mul3A_97 = arith.constant 16 : i32
      %mul3A_98 = arith.muli %scan3A_96, %mul3A_97 : i32
      %multiple_of3A_99 = tpu.assume_multiple %mul3A_98, 16 : i32
      %get3A_100 = arith.index_cast %multiple_of3A_99 : i32 to index
      %get3A_101 = tpu.vector_load %arg15[%get3A_100] {strides = array<i32>} : memref<512xf32, #tpu.memory_space<vmem>>, vector<16xf32>,
      %get3A_102 = vector.shape_cast %get3A_101 : vector<16xf32> to vector<16xf32>
      %get3A_103 = arith.index_cast %multiple_of3A_99 : i32 to index
      %get3A_104 = tpu.vector_load %arg16[%get3A_103] {strides = array<i32>} : memref<512xf32, #tpu.memory_space<vmem>>, vector<16xf32>,
      %get3A_105 = vector.shape_cast %get3A_104 : vector<16xf32> to vector<16xf32>
      %add3A_106 = arith.addf %get3A_102, %get3A_105 : vector<16xf32>
      %add3A_107 = arith.constant 3.500000e+00 : f32
      %add3A_108 = vector.broadcast %add3A_107 : f32 to vector<16xf32>
      %add3A_109 = arith.addf %add3A_106, %add3A_108 : vector<16xf32>
      %get3A_110 = arith.index_cast %multiple_of3A_99 : i32 to index
      %get3A_111 = tpu.vector_load %arg17[%get3A_110] {strides = array<i32>} : memref<512xf32, #tpu.memory_space<vmem>>, vector<16xf32>,
      %get3A_112 = vector.shape_cast %get3A_111 : vector<16xf32> to vector<16xf32>
      %sub3A_113 = arith.subf %add3A_109, %get3A_112 : vector<16xf32>
      %swap3A_114 = arith.index_cast %multiple_of3A_99 : i32 to index
      %swap3A_115 = tpu.vector_load %arg18[%swap3A_114] {strides = array<i32>} : memref<512xf32, #tpu.memory_space<vmem>>, vector<16xf32>,
      %swap3A_116 = vector.shape_cast %swap3A_115 : vector<16xf32> to vector<16xf32>
      %swap3A_117 = vector.shape_cast %sub3A_113 : vector<16xf32> to vector<16xf32>
      tpu.vector_store %arg18[%swap3A_114], %swap3A_117 {strides = array<i32>} : memref<512xf32, #tpu.memory_space<vmem>>, vector<16xf32>,
    }
    %scan3A_23 = arith.constant 32 : i32
    "tpu.region"() ({
      %run_scoped3A = tpu.sem_alloc : memref<!tpu.dma_semaphore, #tpu.memory_space<semaphore_mem>>
      %dma_start3A_30 = tpu.memref_slice %arg10[%multiple_of3A] : memref<16384xf32, #tpu.memory_space<hbm>> -> memref<512xf32, #tpu.memory_space<hbm>>
      %dma_start3A_31 = tpu.memref_slice %arg10[%multiple_of3A] : memref<16384xf32, #tpu.memory_space<hbm>> -> memref<512xf32, #tpu.memory_space<hbm>>
      tpu.enqueue_dma source(%arg18 : memref<512xf32, #tpu.memory_space<vmem>>) target(%dma_start3A_31 : memref<512xf32, #tpu.memory_space<hbm>>) target_semaphore(%run_scoped3A : memref<!tpu.dma_semaphore, #tpu.memory_space<semaphore_mem>>)
      %dma_wait3A_32 = tpu.memref_slice %arg10[%multiple_of3A] : memref<16384xf32, #tpu.memory_space<hbm>> -> memref<512xf32, #tpu.memory_space<hbm>>
      %dma_wait3A_33 = tpu.memref_slice %arg10[%multiple_of3A] : memref<16384xf32, #tpu.memory_space<hbm>> -> memref<512xf32, #tpu.memory_space<hbm>>
      tpu.wait_dma2 semaphore(%run_scoped3A : memref<!tpu.dma_semaphore, #tpu.memory_space<semaphore_mem>>) src(%arg18 : memref<512xf32, #tpu.memory_space<vmem>>) dst(%dma_wait3A_33 : memref<512xf32, #tpu.memory_space<hbm>>)
      tpu.yield
    }) : () -> ()
    %dma_wait3A_24 = arith.constant 0 : i32
    %dma_wait3A_25 = arith.constant 0 : i32
    %dma_wait3A_26 = tpu.memref_slice %arg5[%dma_wait3A_24, %dma_wait3A_25] : memref<100000x64xf32, #tpu.memory_space<hbm>> -> memref<100000x64xf32, #tpu.memory_space<hbm>>
    tpu.wait_indirect_dma semaphore(%arg19 : memref<!tpu.dma_semaphore, #tpu.memory_space<semaphore_mem>>) src(%dma_wait3A_26 : memref<100000x64xf32, #tpu.memory_space<hbm>>) dst(%arg13 : memref<512x64xf32, #tpu.memory_space<vmem>>)
    "tpu.region"() ({
      %run_scoped3A = tpu.sem_alloc : memref<!tpu.dma_semaphore, #tpu.memory_space<semaphore_mem>>
      %dma_start3A_30 = arith.constant 0 : i32
      %dma_start3A_31 = tpu.memref_slice %arg9[%multiple_of3A, %dma_start3A_30] : memref<16384x128xf32, #tpu.memory_space<hbm>> -> memref<512x64xf32, #tpu.memory_space<hbm>>
      %dma_start3A_32 = arith.constant 0 : i32
      %dma_start3A_33 = tpu.memref_slice %arg9[%multiple_of3A, %dma_start3A_32] : memref<16384x128xf32, #tpu.memory_space<hbm>> -> memref<512x64xf32, #tpu.memory_space<hbm>>
      tpu.enqueue_dma source(%arg13 : memref<512x64xf32, #tpu.memory_space<vmem>>) target(%dma_start3A_33 : memref<512x64xf32, #tpu.memory_space<hbm>>) target_semaphore(%run_scoped3A : memref<!tpu.dma_semaphore, #tpu.memory_space<semaphore_mem>>)
      %dma_wait3A_34 = arith.constant 0 : i32
      %dma_wait3A_35 = tpu.memref_slice %arg9[%multiple_of3A, %dma_wait3A_34] : memref<16384x128xf32, #tpu.memory_space<hbm>> -> memref<512x64xf32, #tpu.memory_space<hbm>>
      %dma_wait3A_36 = arith.constant 0 : i32
      %dma_wait3A_37 = tpu.memref_slice %arg9[%multiple_of3A, %dma_wait3A_36] : memref<16384x128xf32, #tpu.memory_space<hbm>> -> memref<512x64xf32, #tpu.memory_space<hbm>>
      tpu.wait_dma2 semaphore(%run_scoped3A : memref<!tpu.dma_semaphore, #tpu.memory_space<semaphore_mem>>) src(%arg13 : memref<512x64xf32, #tpu.memory_space<vmem>>) dst(%dma_wait3A_37 : memref<512x64xf32, #tpu.memory_space<hbm>>)
      tpu.yield
    }) : () -> ()
    %dma_wait3A_27 = arith.constant 0 : i32
    %dma_wait3A_28 = arith.constant 0 : i32
    %dma_wait3A_29 = tpu.memref_slice %arg6[%dma_wait3A_27, %dma_wait3A_28] : memref<100000x64xf32, #tpu.memory_space<hbm>> -> memref<100000x64xf32, #tpu.memory_space<hbm>>
    tpu.wait_indirect_dma semaphore(%arg20 : memref<!tpu.dma_semaphore, #tpu.memory_space<semaphore_mem>>) src(%dma_wait3A_29 : memref<100000x64xf32, #tpu.memory_space<hbm>>) dst(%arg14 : memref<512x64xf32, #tpu.memory_space<vmem>>)
    "tpu.region"() ({
      %run_scoped3A = tpu.sem_alloc : memref<!tpu.dma_semaphore, #tpu.memory_space<semaphore_mem>>
      %dma_start3A_30 = arith.constant 64 : i32
      %dma_start3A_31 = tpu.memref_slice %arg9[%multiple_of3A, %dma_start3A_30] : memref<16384x128xf32, #tpu.memory_space<hbm>> -> memref<512x64xf32, #tpu.memory_space<hbm>>
      %dma_start3A_32 = arith.constant 64 : i32
      %dma_start3A_33 = tpu.memref_slice %arg9[%multiple_of3A, %dma_start3A_32] : memref<16384x128xf32, #tpu.memory_space<hbm>> -> memref<512x64xf32, #tpu.memory_space<hbm>>
      tpu.enqueue_dma source(%arg14 : memref<512x64xf32, #tpu.memory_space<vmem>>) target(%dma_start3A_33 : memref<512x64xf32, #tpu.memory_space<hbm>>) target_semaphore(%run_scoped3A : memref<!tpu.dma_semaphore, #tpu.memory_space<semaphore_mem>>)
      %dma_wait3A_34 = arith.constant 64 : i32
      %dma_wait3A_35 = tpu.memref_slice %arg9[%multiple_of3A, %dma_wait3A_34] : memref<16384x128xf32, #tpu.memory_space<hbm>> -> memref<512x64xf32, #tpu.memory_space<hbm>>
      %dma_wait3A_36 = arith.constant 64 : i32
      %dma_wait3A_37 = tpu.memref_slice %arg9[%multiple_of3A, %dma_wait3A_36] : memref<16384x128xf32, #tpu.memory_space<hbm>> -> memref<512x64xf32, #tpu.memory_space<hbm>>
      tpu.wait_dma2 semaphore(%run_scoped3A : memref<!tpu.dma_semaphore, #tpu.memory_space<semaphore_mem>>) src(%arg14 : memref<512x64xf32, #tpu.memory_space<vmem>>) dst(%dma_wait3A_37 : memref<512x64xf32, #tpu.memory_space<hbm>>)
      tpu.yield
    }) : () -> ()
    return
  }
}

module attributes {stable_mosaic.version = 14 : i64} {
  func.func @_tc_body(%arg0: i32, %arg1: memref<4096x128xf32, #tpu.memory_space<vmem>>, %arg2: memref<4096xf32, #tpu.memory_space<vmem>>, %arg3: memref<64x128xf32, #tpu.memory_space<vmem>>, %arg4: memref<1x128xf32, #tpu.memory_space<vmem>>, %arg5: memref<128x64xf32, #tpu.memory_space<vmem>>, %arg6: memref<1x64xf32, #tpu.memory_space<vmem>>, %arg7: memref<4x3xf32, #tpu.memory_space<smem>>) attributes {dimension_semantics = [#tpu.dimension_semantics<arbitrary>], iteration_bounds = array<i64: 4>, scalar_prefetch = 0 : i64, scratch_operands = 0 : i64, tpu.core_type = #tpu.core_type<tc>, window_params = [{transform_indices = @transform_0, window_bounds = array<i64: 4096, 128>}, {transform_indices = @transform_1, window_bounds = array<i64: 4096>}, {pipeline_mode = #tpu.pipeline_mode<synchronous>, transform_indices = @transform_2, window_bounds = array<i64: 64, 128>}, {pipeline_mode = #tpu.pipeline_mode<synchronous>, transform_indices = @transform_3, window_bounds = array<i64: 1, 128>}, {pipeline_mode = #tpu.pipeline_mode<synchronous>, transform_indices = @transform_4, window_bounds = array<i64: 128, 64>}, {pipeline_mode = #tpu.pipeline_mode<synchronous>, transform_indices = @transform_5, window_bounds = array<i64: 1, 64>}, {transform_indices = @transform_6, window_bounds = array<i64: 4, 3>}]} {
    %get3A = arith.constant 0 : index
    %get3A_0 = arith.constant 0 : index
    %get3A_1 = vector.load %arg3[%get3A, %get3A_0] : memref<64x128xf32, #tpu.memory_space<vmem>>, vector<64x128xf32>
    %get3A_2 = arith.constant 0 : index
    %get3A_3 = arith.constant 0 : index
    %get3A_4 = vector.load %arg4[%get3A_2, %get3A_3] : memref<1x128xf32, #tpu.memory_space<vmem>>, vector<1x128xf32>
    %get3A_5 = arith.constant 0 : index
    %get3A_6 = arith.constant 0 : index
    %get3A_7 = vector.load %arg5[%get3A_5, %get3A_6] : memref<128x64xf32, #tpu.memory_space<vmem>>, vector<128x64xf32>
    %get3A_8 = arith.constant 0 : index
    %get3A_9 = arith.constant 0 : index
    %get3A_10 = vector.load %arg6[%get3A_8, %get3A_9] : memref<1x64xf32, #tpu.memory_space<vmem>>, vector<1x64xf32>
    %get3A_11 = arith.constant 0 : index
    %get3A_12 = arith.constant 0 : index
    %get3A_13 = vector.load %arg1[%get3A_11, %get3A_12] : memref<4096x128xf32, #tpu.memory_space<vmem>>, vector<4096x128xf32>
    %slice3A = vector.extract_strided_slice %get3A_13 {offsets = [0, 0], sizes = [4096, 64], strides = [1, 1]} : vector<4096x128xf32> to vector<4096x64xf32>
    %dot_general3A = arith.constant dense<0.000000e+00> : vector<4096x128xf32>
    %dot_general3A_14 = tpu.matmul %slice3A, %get3A_1, %dot_general3A {dimension_numbers = #tpu.dot_dimension_numbers<[1], [0], [0], [1], [0, 0, 1, 1], [], []>, transpose_lhs_hint = false} : vector<4096x64xf32>, vector<64x128xf32>, vector<4096x128xf32> -> vector<4096x128xf32>
    %add3A = vector.broadcast %get3A_4 : vector<1x128xf32> to vector<4096x128xf32>
    %add3A_15 = arith.addf %dot_general3A_14, %add3A : vector<4096x128xf32>
    %ge3A = arith.constant 0.000000e+00 : f32
    %ge3A_16 = vector.broadcast %ge3A : f32 to vector<4096x128xf32>
    %ge3A_17 = arith.cmpf oge, %add3A_15, %ge3A_16 : vector<4096x128xf32>
    %mul3A = arith.constant 1.000000e-01 : f32
    %mul3A_18 = vector.broadcast %mul3A : f32 to vector<4096x128xf32>
    %mul3A_19 = arith.mulf %mul3A_18, %add3A_15 : vector<4096x128xf32>
    %select_n3A = arith.select %ge3A_17, %add3A_15, %mul3A_19 : vector<4096x128xi1>, vector<4096x128xf32>
    %dot_general3A_20 = arith.constant dense<0.000000e+00> : vector<4096x64xf32>
    %dot_general3A_21 = tpu.matmul %select_n3A, %get3A_7, %dot_general3A_20 {dimension_numbers = #tpu.dot_dimension_numbers<[1], [0], [0], [1], [0, 0, 1, 1], [], []>, transpose_lhs_hint = false} : vector<4096x128xf32>, vector<128x64xf32>, vector<4096x64xf32> -> vector<4096x64xf32>
    %add3A_22 = vector.broadcast %get3A_10 : vector<1x64xf32> to vector<4096x64xf32>
    %add3A_23 = arith.addf %dot_general3A_21, %add3A_22 : vector<4096x64xf32>
    %slice3A_24 = vector.extract_strided_slice %get3A_13 {offsets = [0, 64], sizes = [4096, 64], strides = [1, 1]} : vector<4096x128xf32> to vector<4096x64xf32>
    %dot_general3A_25 = arith.constant dense<0.000000e+00> : vector<4096x128xf32>
    %dot_general3A_26 = tpu.matmul %slice3A_24, %get3A_1, %dot_general3A_25 {dimension_numbers = #tpu.dot_dimension_numbers<[1], [0], [0], [1], [0, 0, 1, 1], [], []>, transpose_lhs_hint = false} : vector<4096x64xf32>, vector<64x128xf32>, vector<4096x128xf32> -> vector<4096x128xf32>
    %add3A_27 = vector.broadcast %get3A_4 : vector<1x128xf32> to vector<4096x128xf32>
    %add3A_28 = arith.addf %dot_general3A_26, %add3A_27 : vector<4096x128xf32>
    %ge3A_29 = arith.constant 0.000000e+00 : f32
    %ge3A_30 = vector.broadcast %ge3A_29 : f32 to vector<4096x128xf32>
    %ge3A_31 = arith.cmpf oge, %add3A_28, %ge3A_30 : vector<4096x128xf32>
    %mul3A_32 = arith.constant 1.000000e-01 : f32
    %mul3A_33 = vector.broadcast %mul3A_32 : f32 to vector<4096x128xf32>
    %mul3A_34 = arith.mulf %mul3A_33, %add3A_28 : vector<4096x128xf32>
    %select_n3A_35 = arith.select %ge3A_31, %add3A_28, %mul3A_34 : vector<4096x128xi1>, vector<4096x128xf32>
    %dot_general3A_36 = arith.constant dense<0.000000e+00> : vector<4096x64xf32>
    %dot_general3A_37 = tpu.matmul %select_n3A_35, %get3A_7, %dot_general3A_36 {dimension_numbers = #tpu.dot_dimension_numbers<[1], [0], [0], [1], [0, 0, 1, 1], [], []>, transpose_lhs_hint = false} : vector<4096x128xf32>, vector<128x64xf32>, vector<4096x64xf32> -> vector<4096x64xf32>
    %add3A_38 = vector.broadcast %get3A_10 : vector<1x64xf32> to vector<4096x64xf32>
    %add3A_39 = arith.addf %dot_general3A_37, %add3A_38 : vector<4096x64xf32>
    %mul3A_40 = arith.mulf %add3A_23, %add3A_39 : vector<4096x64xf32>
    %reduce_sum3A = arith.constant dense<0.000000e+00> : vector<4096xf32>
    %reduce_sum3A_41 = vector.multi_reduction <add>, %mul3A_40, %reduce_sum3A [1] : vector<4096x64xf32> to vector<4096xf32>
    %get3A_42 = arith.constant 0 : index
    %get3A_43 = vector.load %arg2[%get3A_42] : memref<4096xf32, #tpu.memory_space<vmem>>, vector<4096xf32>
    %add3A_44 = arith.addf %reduce_sum3A_41, %get3A_43 : vector<4096xf32>
    %mul3A_45 = arith.mulf %add3A_44, %add3A_44 : vector<4096xf32>
    %reduce_sum3A_46 = vector.shape_cast %mul3A_45 : vector<4096xf32> to vector<1x4096xf32>
    %reduce_sum3A_47 = arith.constant dense<0.000000e+00> : vector<1xf32>
    %reduce_sum3A_48 = vector.multi_reduction <add>, %reduce_sum3A_46, %reduce_sum3A_47 [1] : vector<1x4096xf32> to vector<1xf32>
    %reduce_sum3A_49 = vector.shape_cast %reduce_sum3A_48 : vector<1xf32> to vector<1x1xf32>
    %reduce_sum3A_50 = vector.extract %reduce_sum3A_49[0, 0] : f32 from vector<1x1xf32>
    %swap3A = arith.index_cast %arg0 : i32 to index
    %swap3A_51 = arith.constant 0 : index
    %swap3A_52 = memref.load %arg7[%swap3A, %swap3A_51] : memref<4x3xf32, #tpu.memory_space<smem>>
    memref.store %reduce_sum3A_50, %arg7[%swap3A, %swap3A_51] : memref<4x3xf32, #tpu.memory_space<smem>>
    %mul3A_53 = arith.mulf %add3A_23, %add3A_23 : vector<4096x64xf32>
    %reduce_sum3A_54 = vector.shape_cast %mul3A_53 : vector<4096x64xf32> to vector<1x4096x64xf32>
    %reduce_sum3A_55 = arith.constant dense<0.000000e+00> : vector<1xf32>
    %reduce_sum3A_56 = vector.multi_reduction <add>, %reduce_sum3A_54, %reduce_sum3A_55 [1, 2] : vector<1x4096x64xf32> to vector<1xf32>
    %reduce_sum3A_57 = vector.shape_cast %reduce_sum3A_56 : vector<1xf32> to vector<1x1x1xf32>
    %reduce_sum3A_58 = vector.extract %reduce_sum3A_57[0, 0, 0] : f32 from vector<1x1x1xf32>
    %swap3A_59 = arith.index_cast %arg0 : i32 to index
    %swap3A_60 = arith.constant 1 : index
    %swap3A_61 = memref.load %arg7[%swap3A_59, %swap3A_60] : memref<4x3xf32, #tpu.memory_space<smem>>
    memref.store %reduce_sum3A_58, %arg7[%swap3A_59, %swap3A_60] : memref<4x3xf32, #tpu.memory_space<smem>>
    %mul3A_62 = arith.mulf %add3A_39, %add3A_39 : vector<4096x64xf32>
    %reduce_sum3A_63 = vector.shape_cast %mul3A_62 : vector<4096x64xf32> to vector<1x4096x64xf32>
    %reduce_sum3A_64 = arith.constant dense<0.000000e+00> : vector<1xf32>
    %reduce_sum3A_65 = vector.multi_reduction <add>, %reduce_sum3A_63, %reduce_sum3A_64 [1, 2] : vector<1x4096x64xf32> to vector<1xf32>
    %reduce_sum3A_66 = vector.shape_cast %reduce_sum3A_65 : vector<1xf32> to vector<1x1x1xf32>
    %reduce_sum3A_67 = vector.extract %reduce_sum3A_66[0, 0, 0] : f32 from vector<1x1x1xf32>
    %swap3A_68 = arith.index_cast %arg0 : i32 to index
    %swap3A_69 = arith.constant 2 : index
    %swap3A_70 = memref.load %arg7[%swap3A_68, %swap3A_69] : memref<4x3xf32, #tpu.memory_space<smem>>
    memref.store %reduce_sum3A_67, %arg7[%swap3A_68, %swap3A_69] : memref<4x3xf32, #tpu.memory_space<smem>>
    return
  }
  func.func @transform_0(%arg0: i32) -> (i32, i32) {
    %c0_i32 = arith.constant 0 : i32
    %c0_i32_0 = arith.constant 0 : i32
    return %arg0, %c0_i32 : i32, i32
  }
  func.func @transform_1(%arg0: i32) -> i32 {
    %c0_i32 = arith.constant 0 : i32
    return %arg0 : i32
  }
  func.func @transform_2(%arg0: i32) -> (i32, i32) {
    %c0_i32 = arith.constant 0 : i32
    %c0_i32_0 = arith.constant 0 : i32
    %c0_i32_1 = arith.constant 0 : i32
    return %c0_i32, %c0_i32_0 : i32, i32
  }
  func.func @transform_3(%arg0: i32) -> (i32, i32) {
    %c0_i32 = arith.constant 0 : i32
    %c0_i32_0 = arith.constant 0 : i32
    %c0_i32_1 = arith.constant 0 : i32
    return %c0_i32, %c0_i32_0 : i32, i32
  }
  func.func @transform_4(%arg0: i32) -> (i32, i32) {
    %c0_i32 = arith.constant 0 : i32
    %c0_i32_0 = arith.constant 0 : i32
    %c0_i32_1 = arith.constant 0 : i32
    return %c0_i32, %c0_i32_0 : i32, i32
  }
  func.func @transform_5(%arg0: i32) -> (i32, i32) {
    %c0_i32 = arith.constant 0 : i32
    %c0_i32_0 = arith.constant 0 : i32
    %c0_i32_1 = arith.constant 0 : i32
    return %c0_i32, %c0_i32_0 : i32, i32
  }
  func.func @transform_6(%arg0: i32) -> (i32, i32) {
    %c0_i32 = arith.constant 0 : i32
    %c0_i32_0 = arith.constant 0 : i32
    %c0_i32_1 = arith.constant 0 : i32
    return %c0_i32, %c0_i32_0 : i32, i32
  }
}

</mosaic_0001>

<sc_bundles>
// kernel: kernel.4.cloned.1.call-start
scs
__scs_entry_jumppad:
0x0: {  	(pc) =	sbr.rel $0x88, $3  }
0x1: {  	(tag) =	ssettag $0x0;
	lr =	simm.s32 $0x1  }
0x2: {  	[smem:$0x3F96] =	sst lr;
	_ =	strace $0xD0000000  }
0x3: {  	_ = 	snop  }
0x4: {  	_ = 	snop  }
0x5: {  	_ = 	snop  }
0x6: {  	_ = 	snop  }
0x7: {  	_ = 	snop  }
__scs_overlays_trampoline_lowered:
0x8: {  	[smem:$0x3FA5] =	sst s0  }
0x9: {  	[smem:$0x3FA6] =	sst s1  }
0xa: {  	[smem:$0x3FA7] =	sst s2  }
0xb: {  	[smem:$0x3FA8] =	sst s3  }
0xc: {  	[smem:$0x3FA9] =	sst s4  }
0xd: {  	[smem:$0x3FAA] =	sst s5  }
0xe: {  	[smem:$0x3FAB] =	sst s6  }
0xf: {  	[smem:$0x3FAC] =	sst s7  }
0x10: {  	[smem:$0x3FAD] =	sst s8  }
0x11: {  	[smem:$0x3FAE] =	sst s9;
	s0 =	simm.s32 @!p0 $0x0  }
0x12: {  	s1 =	sld [smem:$0x3F94];
	s0 =	simm.s32 @p0 $0x1  }
0x13: {  	[smem:$0x3FAF] =	sst s0;
	s0 =	simm.s32 @!p1 $0x0  }
0x14: {  	s2 =	sld [smem:$0x3F93];
	s0 =	simm.s32 @p1 $0x1  }
0x15: {  	[smem:$0x3FB0] =	sst s0;
	s0 =	simm.s32 @!p2 $0x0  }
0x16: {  	s3 =	sld [smem:$0x3FDB];
	s0 =	simm.s32 @p2 $0x1  }
0x17: {  	s4 =	simm.s32 $0x1BF5;
	[smem:$0x3FB2] =	sst s0  }
0x18: {  	s0 =	sld [smem:$0x3F95];
	_ =	swait.ge [sflag:s4], $0x0  }
0x19: {  	s7 =	sld [smem:$0x3F96]  }
0x1a: {  	s8 =	sadd.s32 $0xFFFFE003, lr  }
0x1b: {  	s9 =	sadd.s32 $0xFFFFFEF7, lr;
	s5 =	simm.s32 $0xFFFFFFFF;
	p2 =	slt.u32 s8, $0xFFFFF086  }
0x1c: {  	p1 =	slt.u32 s9, $0xF7A;
	s5 =	simm.s32 @!p2 $0x0  }
0x1d: {  	s5 =	simm.s32 @p1 $0x1;
	p0 =	seq.s32 s7, s2  }
0x1e: {  	s7 =	smul.u32 @!p0 $0xF7A, s2;
	p2 =	seq.s32 @!p0 s5, $0x0  }
0x1f: {  	s9 =	smul.u32 $0xF7A, s1;
	s8 =	simm.s32 @!p0 $0x1BF5;
	p2 =	por !p2, p0  }
0x20: {  	[sflag:s8] =	ssyncset.s32 @!p0 $0xFFFFF086;
	s6 =	sadd.s32 @!p0 s3, s7;
	s7 =	simm.s32 @!p0 $0x108  }
0x21: {  	s3 =	sadd.s32 s3, s9;
	s6 =	sadd.s32 @!p0 $0x88, s6;
	s7 =	simm.s32 @p2 $0x1082  }
0x22: {  	[simem:s7], [sflag:s8] =	dma.local @!p0 [hbm:s6], $0xF7A  }
0x23: {  	s9 =	sor.u32 $0xD0000000, s2;
	s6 =	simm.s32 $0x108;
	_ =	swait.ge @!p0 [sflag:s8], $0x0  }
0x24: {  	s3 =	sadd.s32 $0x88, s3;
	s6 =	simm.s32 @!p1 $0x1082;
	[sflag:s4] =	ssyncset.s32 $0xFFFFF086  }
0x25: {  	[simem:s6], [sflag:s4] =	dma.local [hbm:s3], $0xF7A  }
0x26: {  	[smem:$0x3F96] =	sst s1;
	(tag) =	ssettag s2;
	_ =	strace s9  }
0x27: {  	s1 =	sld [smem:$0x3FA6]  }
0x28: {  	s2 =	sld [smem:$0x3FA7]  }
0x29: {  	s4 =	sld [smem:$0x3FA9]  }
0x2a: {  	p0 =	seq.s32 s5, $0x0;
	s5 =	sld [smem:$0x3FAA]  }
0x2b: {  	s6 =	sld [smem:$0x3FAB]  }
0x2c: {  	s7 =	sld [smem:$0x3FAC]  }
0x2d: {  	s3 =	simm.s32 $0x108;
	s8 =	sld [smem:$0x3FAD]  }
0x2e: {  	s3 =	simm.s32 @!p0 $0x1082;
	s9 =	sld [smem:$0x3FAE]  }
0x2f: {  	lr =	sadd.s32 s0, s3;
	s0 =	sld [smem:$0x3FA5]  }
0x30: {  	s3 =	sld [smem:$0x3FA8]  }
0x31: {  	[smem:$0x3FB1] =	sst s10  }
0x32: {  	s10 =	sld [smem:$0x3FAF];
	_ =	sdelay $0x3  }
0x33: {  	p0 =	seq.s32 s10, $0x1;
	s10 =	sld [smem:$0x3FB1];
	_ =	sdelay $0x3  }
0x34: {  	[smem:$0x3FB1] =	sst s10  }
0x35: {  	s10 =	sld [smem:$0x3FB0];
	_ =	sdelay $0x3  }
0x36: {  	p1 =	seq.s32 s10, $0x1;
	s10 =	sld [smem:$0x3FB1];
	_ =	sdelay $0x3  }
0x37: {  	[smem:$0x3FB1] =	sst s10  }
0x38: {  	s10 =	sld [smem:$0x3FB2]  }
0x39: {  	_ = 	snop;
	(pc) =	sbr.ind lr, $3  }
0x3a: {  	_ = 	snop  }
0x3b: {  	_ = 	snop  }
0x3c: {  	p2 =	seq.s32 s10, $0x1;
	s10 =	sld [smem:$0x3FB1]  }
0x3d: {  	_ =	shalt  }
0x3e: {  	_ =	shalt  }
0x3f: {  	_ =	shalt  }
0x40: {  	_ =	shalt  }
0x41: {  	_ =	shalt  }
0x42: {  	_ =	shalt  }
0x43: {  	_ =	shalt  }
0x44: {  	_ =	shalt  }
0x45: {  	_ =	shalt  }
0x46: {  	_ =	shalt  }
0x47: {  	_ =	shalt  }
0x48: {  	_ =	shalt  }
0x49: {  	_ =	shalt  }
0x4a: {  	_ =	shalt  }
0x4b: {  	_ =	shalt  }
0x4c: {  	_ =	shalt  }
0x4d: {  	_ =	shalt  }
0x4e: {  	_ =	shalt  }
0x4f: {  	_ =	shalt  }
0x50: {  	_ =	shalt  }
0x51: {  	_ =	shalt  }
0x52: {  	_ =	shalt  }
0x53: {  	_ =	shalt  }
0x54: {  	_ =	shalt  }
0x55: {  	_ =	shalt  }
0x56: {  	_ =	shalt  }
0x57: {  	_ =	shalt  }
0x58: {  	_ =	shalt  }
0x59: {  	_ =	shalt  }
0x5a: {  	_ =	shalt  }
0x5b: {  	_ =	shalt  }
0x5c: {  	_ =	shalt  }
0x5d: {  	_ =	shalt  }
0x5e: {  	_ =	shalt  }
0x5f: {  	_ =	shalt  }
0x60: {  	_ =	shalt  }
0x61: {  	_ =	shalt  }
0x62: {  	_ =	shalt  }
0x63: {  	_ =	shalt  }
0x64: {  	_ =	shalt  }
0x65: {  	_ =	shalt  }
0x66: {  	_ =	shalt  }
0x67: {  	_ =	shalt  }
0x68: {  	_ =	shalt  }
0x69: {  	_ =	shalt  }
0x6a: {  	_ =	shalt  }
0x6b: {  	_ =	shalt  }
0x6c: {  	_ =	shalt  }
0x6d: {  	_ =	shalt  }
0x6e: {  	_ =	shalt  }
0x6f: {  	_ =	shalt  }
0x70: {  	_ =	shalt  }
0x71: {  	_ =	shalt  }
0x72: {  	_ =	shalt  }
0x73: {  	_ =	shalt  }
0x74: {  	_ =	shalt  }
0x75: {  	_ =	shalt  }
0x76: {  	_ =	shalt  }
0x77: {  	_ =	shalt  }
0x78: {  	_ =	shalt  }
0x79: {  	_ =	shalt  }
0x7a: {  	_ =	shalt  }
0x7b: {  	_ =	shalt  }
0x7c: {  	_ =	shalt  }
0x7d: {  	_ =	shalt  }
0x7e: {  	_ =	shalt  }
0x7f: {  	_ =	shalt  }
0x80: {  	_ =	shalt  }
0x81: {  	_ =	shalt  }
0x82: {  	_ =	shalt  }
0x83: {  	_ =	shalt  }
0x84: {  	_ =	shalt  }
0x85: {  	_ =	shalt  }
0x86: {  	_ =	shalt  }
0x87: {  	_ =	shalt  }
.Lfunc_end0:
.L_simem_size_0:
called_computation_lowered:
.L_overlay_start_0:
0x88: {  	s2 =	sld [smem:$0x3FD9]  }
0x89: {  	s3 =	sld [smem:$0x3FFE];
	_ =	sdelay $0x1  }
0x8a: {  	s1 =	srdreg.scid  }
0x8b: {  	s0 =	sand.u32 $0x1, s1  }
0x8c: {  	s17 =	sshll.u32 s0, $0xA;
	s2 =	sadd.s32 s3, s2  }
0x8d: {  	s2 =	sadd.s32 s2, s17  }
0x8e: {  	[smem:$0x3FBD] =	sst s2  }
0x8f: {  	_ = 	snop  }
0x90: {  	s2 =	sld [smem:$0x3FC9]  }
0x91: {  	s18 =	sld [smem:$0x3FC8]  }
0x92: {  	s4 =	sld [smem:$0x3FC7];
	(tm) =	ssettm $0x1  }
0x93: {  	s5 =	sld [smem:$0x3FFB];
	_ =	sdelay $0x3  }
0x94: {  	_ =	strace s5  }
0x95: {  	s5 =	sld [smem:$0x3FFC];
	_ =	sdelay $0x3  }
0x96: {  	_ =	strace s5  }
0x97: {  	s5 =	sld [smem:$0x3FFD];
	_ =	sdelay $0x3  }
0x98: {  	_ =	strace s5  }
0x99: {  	_ =	strace $0x8FFFFFFF  }
0x9a: {  	s19 =	sld [smem:$0x3FDB];
	_ =	sdelay $0x1  }
0x9b: {  	s6 =	simm.s32 $_scs_section_size  }
0x9c: {  	s7 =	simm.s32 $_size__tile_overlayer_lowered;
	s8 =	simm.s32 $_tile_overlayer_lowered  }
0x9d: {  	s22 =	simm.s32 $0x1BFF;
	s21 =	sshll.u32 s8, $0x1;
	s5 =	sadd.s32 s6, s19  }
0x9e: {  	s9 =	simm.s32 $0x0;
	s20 =	sshll.u32 s7, $0x1;
	s7 =	sadd.s32 s21, s5  }
0x9f: {  	[timem:s9], [sflag:s22] =	dma.local [hbm:s7], s20  }
0xa0: {  	_ =	swait.ge [sflag:s22], s20  }
0xa1: {  	s6 =	ssub.s32 $0x0, s20;
	[sflag:s22] =	ssyncset.done $0x0  }
0xa2: {  	[sflag:s22] =	ssyncadd.s32 s6;
	_ =	sdelay $0x1  }
0xa3: {  	s23 =	simm.s32 $0x1B8B  }
0xa4: {  	_ =	swait.ge [sflag:s23], $0x1  }
0xa5: {  	[sflag:s23] =	ssyncset.done $0x0  }
0xa6: {  	s25 =	simm.s32 $0x1B8E;
	s24 =	sld [smem:$0x3FFE];
	[sflag:s23] =	ssyncadd.s32 $0xFFFFFFFF  }
0xa7: {  	s26 =	simm.s32 $execute0_lowered;
	[smem:$0x3FD2] =	sst s25  }
0xa8: {  	s7 =	sshll.u32 s26, $0x1;
	_ =	strace $0x80000046;
	[dreg:$0x1] =	wrdreg $0xFFFFFFFF  }
0xa9: {  	s28 =	simm.s32 $_size_execute0_lowered;
	s5 =	sadd.s32 s5, s7;
	[dreg:$0x0] =	wrdreg $0x0  }
0xaa: {  	s7 =	sshll.u32 s28, $0x1;
	[dreg:$0x2] =	wrdreg s5  }
0xab: {  	[dreg:$0x3] =	wrdreg s7  }
0xac: {  	[dreg:$0x4] =	wrdreg $0xC0  }
0xad: {  	_ =	task [dreg:s9], $0x5FFFF  }
0xae: {  	[dreg:$0x1] =	wrdreg $0xFFFFFFFF  }
0xaf: {  	[dreg:$0x0] =	wrdreg $0x60  }
0xb0: {  	[dreg:$0x2] =	wrdreg s2  }
0xb1: {  	[dreg:$0x3] =	wrdreg s18  }
0xb2: {  	[dreg:$0x4] =	wrdreg s4  }
0xb3: {  	[dreg:$0x5] =	wrdreg s24  }
0xb4: {  	[dreg:$0x6] =	wrdreg $0x9  }
0xb5: {  	_ =	task.clear_ibuf [dreg:s9], $0x7FFFF;
	_ =	strace $0x90000046  }
0xb6: {  	s29 =	simm.s32 $0x9;
	_ =	strace $0x80000048  }
0xb7: {  	_ =	swait.ge [sflag:s29], $0x1  }
0xb8: {  	[sflag:s29] =	ssyncadd.s32 $0xFFFFFFFF  }
0xb9: {  	_ =	strace $0x90000048  }
0xba: {  	_ =	sfence  }
0xbb: {  	s30 =	sld [smem:$0x0];
	_ =	sdelay $0x2  }
0xbc: {  	s31 =	sshll.u32 s1, $0xD;
	s1 =	sshrl.u32 s1, $0x2  }
0xbd: {  	s3 =	sand.u32 $0x4000, s31;
	s1 =	sadd.s32 s1, s30  }
0xbe: {  	s0 =	sor.u32 s3, s0;
	s1 =	sshll.u32 s1, $0x11  }
0xbf: {  	s0 =	sor.u32 s1, s0  }
0xc0: {  	s0 =	sadd.s32 $0x8F2B, s0  }
0xc1: {  	[sflag:s0] =	ssyncadd.remote.s32 $0x1  }
0xc2: {  	_ =	sfence.sel $0xFFFF  }
0xc3: {  	[dreg:$0x0] =	wrdreg $0xFFFFFFFF;
	(pc) =	sbr.abs _section_cstart, $3  }
0xc4: {  	[dreg:$0x1] =	wrdreg $0xFFFFFFFF  }
0xc5: {  	_ =	task.clear_ibuf [dreg:s9], $0x2FFFF;
	_ =	strace $0x9FFFFFFF  }
0xc6: {  	(tm) =	ssettm $0x7FFFFFFF  }
0xc7: {  	_ =	shalt  }
tec
execute0_lowered:
.L_overlay_start_1:
0x0: {  	(tag) =	ssettag $0x1  }
0x1: {  	s7 =	rddreg [dreg:$0x0]  }
0x2: {  	s8 =	rddreg [dreg:$0x1]  }
0x3: {  	s9 =	rddreg [dreg:$0x2]  }
0x4: {  	s10 =	rddreg [dreg:$0x3]  }
0x5: {  	s0 =	rddreg [dreg:$0x4]  }
0x6: {  	s2 =	simm.s32 $0x0;
	s3 =	srdreg.scid;
	s1 =	stileid.u32  }
0x7: {  	s15 =	simm.s32 $0x200;
	s16 =	simm.s32 $0x400;
	s17 =	simm.s32 $0x8400  }
0x8: {  	s18 =	simm.s32 $0x10400;
	s19 =	simm.s32 $0x10600;
	s20 =	simm.s32 $0x10800  }
0x9: {  	s21 =	simm.s32 $0x3;
	s22 =	simm.s32 $0x4;
	s23 =	simm.s32 $0x5  }
0xa: {  	s24 =	simm.s32 $0x10A00;
	s25 =	simm.s32 $0x1;
	s26 =	simm.s32 $0x40  }
0xb: {  	s28 =	simm.s32 $0x80;
	s29 =	simm.s32 $0x2;
	[smem:$0x7FF] =	sst s2  }
0xc: {  	s11 =	sand.u32 $0x1, s3;
	s3 =	sadd.s32 $0xC00, s10;
	s6 =	sshll.u32 s1, $0xA  }
0xd: {  	s4 =	sadd.s32 $0xC4200, s10;
	s5 =	sadd.s32 $0x18AA00, s10;
	s12 =	sshll.u32 s11, $0x9  }
0xe: {  	_ =	strace $0x80000047;
	s11 =	ssub.s32 $0x2, s11;
	s12 =	sor.u32 s12, s6  }
0xf: {  	s6 =	sadd.s32 $0x187800, s10;
	s14 =	sshrl.u32 s11, $0x1;
	s13 =	sshll.u32 s12, $0x4  }
0x10: {  	s12 =	sshrl.u32 s12, $0x3;
	s14 =	ssub.s32 s11, s14;
	s13 =	sadd.s32 s13, s10  }
0x11: {  	s10 =	sadd.s32 s12, s10;
	s7 =	sadd.s32 s7, s12;
	s8 =	sadd.s32 s8, s12  }
0x12: {  	s9 =	sadd.s32 s9, s12;
	s10 =	sadd.s32 $0x1CDC00, s10;
	s11 =	sadd.s32 $0x18DC00, s13  }
0x13: {  	s12 =	sadd.s32 $0x18DC08, s13;
	s13 =	smax.u32 s14, $0x1;
	s14 =	simm.s32 $0x6  }
.LBB2_1:
0x14: {  	[tilespmem:s2], [sflag:$0x6] =	stream.linear.gather [hbm4b:s7+s2], $0x200, $0x38;
	[tilespmem:$0x10C00] =	vst v63  }
0x15: {  	_ =	swait.ge [sflag:s14], $0x200  }
0x16: {  	[sflag:s14] =	ssyncset.done $0x0  }
0x17: {  	[sflag:s14] =	ssyncadd.s32 $0xFFFFFE00  }
0x18: {  	[tilespmem:s15], [sflag:$0x6] =	stream.linear.gather [hbm4b:s8+s2], $0x200, $0x38;
	[tilespmem:$0x10C00] =	vst v63  }
0x19: {  	_ =	swait.ge [sflag:s14], $0x200  }
0x1a: {  	[sflag:s14] =	ssyncset.done $0x0  }
0x1b: {  	[sflag:s14] =	ssyncadd.s32 $0xFFFFFE00  }
0x1c: {  	[tilespmem:s16], [sflag:$0x1] =	stream.indirect.gather [hbm4b:s3+s15], $0x40, s2, s15, $0xb8;
	[tilespmem:$0x10C00] =	vst v63  }
0x1d: {  	_ = 	snop  }
0x1e: {  	[tilespmem:s17], [sflag:$0x2] =	stream.indirect.gather [hbm4b:s4+s15], $0x40, s15, s15, $0xb8;
	[tilespmem:$0x10C00] =	vst v63  }
0x1f: {  	_ = 	snop  }
0x20: {  	[tilespmem:s18], [sflag:$0x3] =	stream.indirect.gather [hbm4b:s5+s15], $0x1, s2, s15, $0xb8;
	[tilespmem:$0x10C00] =	vst v63  }
0x21: {  	_ = 	snop  }
0x22: {  	[tilespmem:s19], [sflag:$0x4] =	stream.indirect.gather [hbm4b:s6+s15], $0x1, s15, s15, $0xb8;
	[tilespmem:$0x10C00] =	vst v63  }
0x23: {  	_ = 	snop  }
0x24: {  	[tilespmem:s20], [sflag:$0x5] =	stream.linear.gather [hbm4b:s9+s2], $0x200, $0x38;
	[tilespmem:$0x10C00] =	vst v63  }
0x25: {  	_ =	swait.ge [sflag:s21], $0x200  }
0x26: {  	[sflag:s21] =	ssyncset.done $0x0  }
0x27: {  	[sflag:s21] =	ssyncadd.s32 $0xFFFFFE00  }
0x28: {  	_ =	swait.ge [sflag:s22], $0x200  }
0x29: {  	[sflag:s22] =	ssyncset.done $0x0  }
0x2a: {  	[sflag:s22] =	ssyncadd.s32 $0xFFFFFE00  }
0x2b: {  	_ =	swait.ge [sflag:s23], $0x200  }
0x2c: {  	[sflag:s23] =	ssyncset.done $0x0  }
0x2d: {  	[sflag:s23] =	ssyncadd.s32 $0xFFFFFE00  }
0x2e: {  	v0 =	vld [tilespmem:$0x10400]  }
0x2f: {  	v1 =	vld [tilespmem:$0x10600]  }
0x30: {  	v2 =	vld [tilespmem:$0x10800]  }
0x31: {  	v3 =	vld [tilespmem:$0x10410]  }
0x32: {  	v4 =	vld [tilespmem:$0x10610]  }
0x33: {  	v5 =	vld [tilespmem:$0x10810]  }
0x34: {  	v6 =	vld [tilespmem:$0x10420]  }
0x35: {  	v7 =	vld [tilespmem:$0x10620]  }
0x36: {  	v8 =	vld [tilespmem:$0x10820]  }
0x37: {  	v9 =	vld [tilespmem:$0x10430]  }
0x38: {  	v10 =	vld [tilespmem:$0x10630]  }
0x39: {  	v11 =	vld [tilespmem:$0x10830]  }
0x3a: {  	v12 =	vld [tilespmem:$0x10440]  }
0x3b: {  	v13 =	vld [tilespmem:$0x10640]  }
0x3c: {  	v14 =	vld [tilespmem:$0x10840]  }
0x3d: {  	v15 =	vld [tilespmem:$0x10450]  }
0x3e: {  	v16 =	vld [tilespmem:$0x10650]  }
0x3f: {  	v17 =	vld [tilespmem:$0x10850]  }
0x40: {  	v18 =	vld [tilespmem:$0x10460]  }
0x41: {  	v19 =	vld [tilespmem:$0x10660]  }
0x42: {  	v20 =	vld [tilespmem:$0x10860]  }
0x43: {  	v21 =	vld [tilespmem:$0x10470]  }
0x44: {  	v22 =	vld [tilespmem:$0x10670]  }
0x45: {  	v23 =	vld [tilespmem:$0x10870]  }
0x46: {  	v24 =	vld [tilespmem:$0x10480]  }
0x47: {  	v25 =	vld [tilespmem:$0x10680]  }
0x48: {  	v26 =	vld [tilespmem:$0x10880]  }
0x49: {  	v27 =	vld [tilespmem:$0x10490]  }
0x4a: {  	v28 =	vld [tilespmem:$0x10690]  }
0x4b: {  	v29 =	vld [tilespmem:$0x10890]  }
0x4c: {  	v30 =	vld [tilespmem:$0x104A0]  }
0x4d: {  	v31 =	vld [tilespmem:$0x106A0]  }
0x4e: {  	v32 =	vld [tilespmem:$0x108A0]  }
0x4f: {  	v33 =	vld [tilespmem:$0x104B0]  }
0x50: {  	v34 =	vld [tilespmem:$0x106B0]  }
0x51: {  	v35 =	vld [tilespmem:$0x108B0]  }
0x52: {  	v36 =	vld [tilespmem:$0x104C0]  }
0x53: {  	v37 =	vld [tilespmem:$0x106C0]  }
0x54: {  	v38 =	vld [tilespmem:$0x108C0]  }
0x55: {  	v39 =	vld [tilespmem:$0x104D0]  }
0x56: {  	v40 =	vld [tilespmem:$0x106D0]  }
0x57: {  	v41 =	vld [tilespmem:$0x108D0]  }
0x58: {  	v42 =	vld [tilespmem:$0x104E0]  }
0x59: {  	v43 =	vld [tilespmem:$0x106E0]  }
0x5a: {  	v44 =	vld [tilespmem:$0x108E0]  }
0x5b: {  	v45 =	vld [tilespmem:$0x104F0]  }
0x5c: {  	v46 =	vld [tilespmem:$0x106F0]  }
0x5d: {  	v47 =	vld [tilespmem:$0x108F0]  }
0x5e: {  	v48 =	vld [tilespmem:$0x10500]  }
0x5f: {  	v49 =	vld [tilespmem:$0x10700]  }
0x60: {  	v50 =	vld [tilespmem:$0x10900]  }
0x61: {  	v0 =	vadd.f32 v1, v0;
	v1 =	vld [tilespmem:$0x10510]  }
0x62: {  	v3 =	vadd.f32 v4, v3;
	v4 =	vld [tilespmem:$0x10710]  }
0x63: {  	v6 =	vadd.f32 v7, v6;
	v7 =	vld [tilespmem:$0x10910];
	v9 =	vadd.f32 v10, v9  }
0x64: {  	v10 =	vld [tilespmem:$0x10520];
	v51 =	vadd.f32 v13, v12;
	v52 =	vadd.f32 v16, v15  }
0x65: {  	v12 =	vld [tilespmem:$0x10530];
	v53 =	vadd.f32 v19, v18;
	v54 =	vadd.f32 v22, v21  }
0x66: {  	v13 =	vld [tilespmem:$0x10730];
	v57 =	vadd.f32 v25, v24;
	v58 =	vadd.f32 v28, v27  }
0x67: {  	v16 =	vld [tilespmem:$0x10930];
	v59 =	vadd.f32 v31, v30;
	v60 =	vadd.f32 v34, v33  }
0x68: {  	v19 =	vld [tilespmem:$0x10540];
	v61 =	vadd.f32 v37, v36;
	v36 =	vadd.f32 v43, v42  }
0x69: {  	v15 =	vld [tilespmem:$0x10740];
	v49 =	vadd.f32 v49, v48;
	v0 =	vadd.f32 $3.500000000e+00, v0  }
0x6a: {  	v18 =	vld [tilespmem:$0x10940];
	v3 =	vadd.f32 $3.500000000e+00, v3;
	v62 =	vadd.f32 $3.500000000e+00, v6  }
0x6b: {  	v21 =	vld [tilespmem:$0x10550];
	v63 =	vadd.f32 $3.500000000e+00, v9;
	v55 =	vadd.f32 $3.500000000e+00, v53  }
0x6c: {  	v25 =	vld [tilespmem:$0x10950];
	v56 =	vadd.f32 $3.500000000e+00, v54;
	v22 =	vadd.f32 $3.500000000e+00, v58  }
0x6d: {  	v28 =	vld [tilespmem:$0x10560];
	v24 =	vadd.f32 $3.500000000e+00, v59;
	v27 =	vadd.f32 $3.500000000e+00, v60  }
0x6e: {  	v31 =	vld [tilespmem:$0x10570];
	v42 =	vadd.f32 $3.500000000e+00, v36;
	v0 =	vsub.f32 v0, v2  }
0x6f: {  	v33 =	vld [tilespmem:$0x10770];
	v3 =	vsub.f32 v3, v5;
	v2 =	vsub.f32 v62, v8  }
0x70: {  	v34 =	vld [tilespmem:$0x10970];
	v5 =	vsub.f32 v63, v11;
	v8 =	vadd.f32 $3.500000000e+00, v51  }
0x71: {  	v43 =	vld [tilespmem:$0x10780];
	v11 =	vadd.f32 $3.500000000e+00, v52;
	v22 =	vsub.f32 v22, v29  }
0x72: {  	v6 =	vld [tilespmem:$0x10720];
	v24 =	vsub.f32 v24, v32;
	v27 =	vsub.f32 v27, v35  }
0x73: {  	v9 =	vld [tilespmem:$0x10920];
	v62 =	vadd.f32 v40, v39;
	v63 =	vadd.f32 $3.500000000e+00, v61  }
0x74: {  	v53 =	vld [tilespmem:$0x10990];
	v39 =	vadd.f32 v46, v45;
	v1 =	vadd.f32 v4, v1  }
0x75: {  	v58 =	vld [tilespmem:$0x109A0];
	v54 =	vadd.f32 v13, v12;
	v59 =	vadd.f32 v15, v19;
	[tilespmem:$0x10A00] =	vst v0  }
0x76: {  	v60 =	vld [tilespmem:$0x105B0];
	v8 =	vsub.f32 v8, v14;
	v11 =	vsub.f32 v11, v17;
	[tilespmem:$0x10A10] =	vst v3  }
0x77: {  	v40 =	vld [tilespmem:$0x10580];
	v14 =	vsub.f32 v55, v20;
	v17 =	vsub.f32 v56, v23;
	[tilespmem:$0x10A20] =	vst v2  }
0x78: {  	v46 =	vld [tilespmem:$0x10980];
	v20 =	vadd.f32 $3.500000000e+00, v57;
	v37 =	vadd.f32 $3.500000000e+00, v62;
	[tilespmem:$0x10A30] =	vst v5  }
0x79: {  	v51 =	vld [tilespmem:$0x10590];
	v0 =	vsub.f32 v63, v38;
	v45 =	vadd.f32 $3.500000000e+00, v39;
	[tilespmem:$0x10A90] =	vst v22  }
0x7a: {  	v52 =	vld [tilespmem:$0x10790];
	v2 =	vsub.f32 v42, v44;
	[tilespmem:$0x10AA0] =	vst v24;
	v24 =	vadd.f32 v33, v31  }
0x7b: {  	v23 =	vld [tilespmem:$0x10750];
	[tilespmem:$0x10AB0] =	vst v27;
	v6 =	vadd.f32 v6, v10;
	v1 =	vadd.f32 $3.500000000e+00, v1  }
0x7c: {  	v55 =	vld [tilespmem:$0x105A0];
	v57 =	vadd.f32 $3.500000000e+00, v54;
	v63 =	vadd.f32 $3.500000000e+00, v59;
	[tilespmem:$0x10A40] =	vst v8  }
0x7d: {  	v56 =	vld [tilespmem:$0x107A0];
	v20 =	vsub.f32 v20, v26;
	v3 =	vsub.f32 v37, v41;
	[tilespmem:$0x10A50] =	vst v11  }
0x7e: {  	v62 =	vld [tilespmem:$0x107B0];
	v5 =	vsub.f32 v45, v47;
	[tilespmem:$0x10A60] =	vst v14;
	v8 =	vadd.f32 $3.500000000e+00, v49  }
0x7f: {  	v33 =	vld [tilespmem:$0x105D0];
	[tilespmem:$0x10A70] =	vst v17;
	v31 =	vadd.f32 $3.500000000e+00, v24;
	v6 =	vadd.f32 $3.500000000e+00, v6  }
0x80: {  	v39 =	vld [tilespmem:$0x105E0];
	[tilespmem:$0x10AC0] =	vst v0;
	v1 =	vsub.f32 v1, v7;
	v7 =	vsub.f32 v57, v16  }
0x81: {  	v42 =	vld [tilespmem:$0x107E0];
	[tilespmem:$0x10AE0] =	vst v2;
	v0 =	vsub.f32 v63, v18;
	v35 =	vadd.f32 v43, v40  }
0x82: {  	v26 =	vld [tilespmem:$0x10760];
	v4 =	vadd.f32 v52, v51;
	[tilespmem:$0x10A80] =	vst v20;
	v8 =	vsub.f32 v8, v50  }
0x83: {  	v44 =	vld [tilespmem:$0x105F0];
	[tilespmem:$0x10AD0] =	vst v3;
	v38 =	vsub.f32 v31, v34;
	v6 =	vsub.f32 v6, v9  }
0x84: {  	v37 =	vld [tilespmem:$0x107D0];
	[tilespmem:$0x10AF0] =	vst v5;
	v61 =	vadd.f32 v23, v21;
	v40 =	vadd.f32 $3.500000000e+00, v35  }
0x85: {  	v47 =	vld [tilespmem:$0x107F0];
	[tilespmem:$0x10B10] =	vst v1;
	v41 =	vadd.f32 v56, v55;
	v4 =	vadd.f32 $3.500000000e+00, v4  }
0x86: {  	v22 =	vld [tilespmem:$0x109B0];
	[tilespmem:$0x10B30] =	vst v7;
	v43 =	vadd.f32 v62, v60;
	v5 =	vadd.f32 v42, v39  }
0x87: {  	[tilespmem:$0x10B40] =	vst v0;
	v56 =	vld [tilespmem:$0x109E0];
	v21 =	vadd.f32 v26, v28;
	v23 =	vadd.f32 $3.500000000e+00, v61  }
0x88: {  	[tilespmem:$0x10B00] =	vst v8;
	v26 =	vld [tilespmem:$0x105C0];
	v45 =	vsub.f32 v40, v46;
	v46 =	vadd.f32 $3.500000000e+00, v41  }
0x89: {  	[tilespmem:$0x10B70] =	vst v38;
	v28 =	vld [tilespmem:$0x107C0];
	v48 =	vsub.f32 v4, v53;
	v49 =	vadd.f32 $3.500000000e+00, v43  }
0x8a: {  	v29 =	vld [tilespmem:$0x10960];
	[tilespmem:$0x10B20] =	vst v6;
	v55 =	vadd.f32 v37, v33;
	v59 =	vadd.f32 v47, v44  }
0x8b: {  	v53 =	vld [tilespmem:$0x109D0];
	v60 =	vadd.f32 $3.500000000e+00, v5;
	v3 =	vsub.f32 v23, v25;
	[tilespmem:$0x10B80] =	vst v45  }
0x8c: {  	v27 =	vadd.f32 $3.500000000e+00, v21;
	v51 =	vsub.f32 v46, v58;
	v58 =	vld [tilespmem:$0x109F0];
	[tilespmem:$0x10B90] =	vst v48  }
0x8d: {  	v50 =	vld [tilespmem:$0x109C0];
	v54 =	vsub.f32 v49, v22;
	v4 =	vadd.f32 $3.500000000e+00, v55;
	[tilespmem:$0x10B50] =	vst v3  }
0x8e: {  	v62 =	vsub.f32 v60, v56;
	[tilespmem:$0x10BA0] =	vst v51;
	v52 =	vadd.f32 v28, v26  }
0x8f: {  	v2 =	vsub.f32 v27, v29;
	[tilespmem:$0x10BB0] =	vst v54;
	v3 =	vadd.f32 $3.500000000e+00, v59  }
0x90: {  	v61 =	vsub.f32 v4, v53;
	[tilespmem:$0x10BE0] =	vst v62;
	v57 =	vadd.f32 $3.500000000e+00, v52  }
0x91: {  	[tilespmem:$0x10B60] =	vst v2;
	v63 =	vsub.f32 v3, v58  }
0x92: {  	[tilespmem:$0x10BD0] =	vst v61;
	v0 =	vsub.f32 v57, v50  }
0x93: {  	[tilespmem:$0x10BF0] =	vst v63  }
0x94: {  	[tilespmem:$0x10BC0] =	vst v0  }
0x95: {  	[hbm4b:s10+s2] =	stream.linear.scatter [tilespmem:s24], [sflag:$0x6], $0x200, $0x38;
	[tilespmem:$0x10C00] =	vst v63  }
0x96: {  	_ =	swait.ge [sflag:s14], $0x200  }
0x97: {  	[sflag:s14] =	ssyncset.done $0x0  }
0x98: {  	[sflag:s14] =	ssyncadd.s32 $0xFFFFFE00  }
0x99: {  	_ =	swait.ge [sflag:s25], $0x8000  }
0x9a: {  	[sflag:s25] =	ssyncset.done $0x0  }
0x9b: {  	[sflag:s25] =	ssyncadd.s32 $0xFFFF8000  }
0x9c: {  	[hbm4b:s11+s26] =	stream.strided.scatter [tilespmem:s16], [sflag:$0x6], $0x8000, s28, s26, $0x38;
	[tilespmem:$0x10C00] =	vst v63  }
0x9d: {  	_ =	swait.ge [sflag:s14], $0x8000  }
0x9e: {  	[sflag:s14] =	ssyncset.done $0x0  }
0x9f: {  	[sflag:s14] =	ssyncadd.s32 $0xFFFF8000  }
0xa0: {  	_ =	swait.ge [sflag:s29], $0x8000  }
0xa1: {  	p0 =	sne.s32 s13, $0x1;
	[sflag:s29] =	ssyncset.done $0x0  }
.Ltmp0:
0xa2: {  	[sflag:s29] =	ssyncadd.s32 $0xFFFF8000;
	(pc) =	sbr.rel @p0 .LBB2_1-.Ltmp0, $4  }
0xa3: {  	[hbm4b:s12+s26] =	stream.strided.scatter [tilespmem:s17], [sflag:$0x6], $0x8000, s28, s26, $0x38;
	[tilespmem:$0x10C00] =	vst v63  }
0xa4: {  	_ =	swait.ge [sflag:s14], $0x8000  }
0xa5: {  	[sflag:s14] =	ssyncset.done $0x0  }
0xa6: {  	s13 =	sadd.s32 $0xFFFFFFFF, s13;
	[sflag:s14] =	ssyncadd.s32 $0xFFFF8000  }
0xa7: {  	_ =	sfence.sel $0x180000  }
0xa8: {  	[bflag:$0x0] =	sbarrier.arrive $0xFFFF  }
0xa9: {  	p0 =	sne.s32 s1, $0x0;
	_ =	strace $0x90000047  }
0xaa: {  	s0 =	sadd.s32 @!p0 $0x100000, s0;
	[bflag:$0x2] =	sbarrier.arrive $0xFFFF  }
0xab: {  	[sflag:s0] =	ssyncadd.tile.s32 @!p0 $0x1;
	_ =	shalt  }
.Lfunc_end2:
_tile_overlayer_lowered:
.L_overlay_start_2:
0xac: {  	(tag) =	ssettag $0x2  }
0xad: {  	s0 =	rddreg [dreg:$0x0];
	s2 =	stileid.u32  }
0xae: {  	s1 =	rddreg [dreg:$0x1];
	p0 =	sne.s32 s2, $0x0  }
0xaf: {  	s3 =	rddreg [dreg:$0x2];
	[bflag:$0x3] =	sbarrier.arrive $0xFFFF;
	s2 =	simm.s32 @!p0 $0x1C06  }
0xb0: {  	[timem:s3], [sflag:s2] =	dma.local @!p0 [hbm:s0], s1  }
0xb1: {  	s0 =	simm.s32 @!p0 $0x6  }
0xb2: {  	_ =	swait.ge @!p0 [sflag:s0], s1  }
0xb3: {  	s1 =	ssub.s32 @!p0 $0x0, s1;
	[sflag:s0] =	ssyncset.done @!p0 $0x0  }
0xb4: {  	[sflag:s0] =	ssyncadd.s32 @!p0 s1  }
0xb5: {  	[bflag:$0x3] =	sbarrier.arrive $0xFFFF  }
0xb6: {  	_ =	shalt  }

</sc_bundles>
